<compile_context>
chip_gen: v7x
topology: tpu7x:2x2x1
jax: 0.10.2.dev20260603
libtpu: 0.0.44.dev20260713+nightly
codegen_flags: <defaults>
</compile_context>

<pallas_src>
import functools

import jax
import jax.numpy as jnp
from jax import lax
from jax.experimental import pallas as pl
from jax.experimental.pallas import tpu as pltpu
from jax.experimental.pallas import tpu_sc as plsc

_NUM_QUERIES = 300
_EMBED_DIM = 256
_FLAT = _NUM_QUERIES * _EMBED_DIM


@functools.lru_cache(maxsize=None)
def _build(batch: int):
    info = plsc.get_sparse_core_info()
    num_workers = info.num_cores * info.num_subcores
    chunk = _FLAT // num_workers
    assert _FLAT % num_workers == 0 and chunk % 8 == 0

    mesh = plsc.VectorSubcoreMesh(core_axis_name="c", subcore_axis_name="s")

    @functools.partial(
        pl.kernel,
        mesh=mesh,
        out_type=jax.ShapeDtypeStruct((batch * _FLAT,), jnp.float32),
        scratch_types=[
            pltpu.VMEM((chunk,), jnp.float32),
            pltpu.SemaphoreType.DMA,
        ],
    )
    def tile_broadcast(table_hbm, out_hbm, buf, sem):
        wid = lax.axis_index("c") * info.num_subcores + lax.axis_index("s")
        base = wid * chunk
        pltpu.sync_copy(table_hbm.at[pl.ds(base, chunk)], buf)
        writes = []
        for b in range(batch):
            writes.append(
                pltpu.async_copy(buf, out_hbm.at[pl.ds(b * _FLAT + base, chunk)], sem)
            )
        for w in writes:
            w.wait()

    return tile_broadcast


def kernel(x, table):
    batch = x.shape[0]
    out_flat = _build(batch)(table.reshape(_FLAT))
    return out_flat.reshape(batch, _NUM_QUERIES, _EMBED_DIM)

# --- scband reference (transcript-rebuilt; emitter-appended) ---
"""Pipeline reference for scband-query-sampler-88957362635320 (READ-ONLY COPY).

The authoritative reference and input builder live on the scoring server;
editing this copy changes nothing except your own understanding.
"""

import jax, jax.numpy as jnp
import numpy as np

NUM_QUERIES = 300
EMBED_DIM = 256

def setup_inputs(seed: int = 0) -> dict:
    key = jax.random.key(seed)
    k1, k2 = jax.random.split(key)
    x = jax.random.normal(k1, (16, 1024, 256), dtype=jnp.float32)
    # Keras Embedding default init: uniform(-0.05, 0.05)
    table = jax.random.uniform(k2, (NUM_QUERIES, EMBED_DIM), dtype=jnp.float32, minval=-0.05, maxval=0.05)
    return {"x": x, "table": table}

def reference(x, table):
    queries_set = jnp.arange(0, NUM_QUERIES, 1)
    queries = jnp.take(table, queries_set, axis=0)  # embedding lookup of full range
    queries = jnp.expand_dims(queries, axis=0)      # [1, num_queries, embed_dim]
    return jnp.tile(queries, (x.shape[0], 1, 1))    # [B, num_queries, embed_dim]

if __name__ == "__main__":
    import jax
    _d = setup_inputs()
    print(jax.jit(kernel)(*tuple(_d.values())))

</pallas_src>

<mosaic_0001>
#map = affine_map<(d0, d1) -> (0)>
module attributes {stable_mosaic.version = 14 : i64} {
  func.func @tile_broadcast(%arg0: i32, %arg1: i32, %arg2: memref<76800xf32, #tpu.memory_space<hbm>>, %arg3: memref<1228800xf32, #tpu.memory_space<hbm>>, %arg4: memref<2400xf32, #tpu.memory_space<vmem>>, %arg5: memref<!tpu.dma_semaphore, #tpu.memory_space<semaphore_mem>>) attributes {dimension_semantics = [#tpu.dimension_semantics<core_parallel>, #tpu.dimension_semantics<subcore_parallel>], iteration_bounds = array<i64: 2, 16>, scalar_prefetch = 0 : i64, scratch_operands = 2 : i64, tpu.core_type = #tpu.core_type<sc_vector_subcore>, window_params = [{transform_indices = #map}, {transform_indices = #map}]} {
    %mul3A = arith.constant 16 : i32
    %mul3A_0 = arith.muli %arg0, %mul3A : i32
    %add3A = arith.addi %mul3A_0, %arg1 : i32
    %mul3A_1 = arith.constant 2400 : i32
    %mul3A_2 = arith.muli %add3A, %mul3A_1 : i32
    "tpu.region"() ({
      %run_scoped3A = tpu.sem_alloc : memref<!tpu.dma_semaphore, #tpu.memory_space<semaphore_mem>>
      %dma_start3A_97 = tpu.memref_slice %arg2[%mul3A_2] : memref<76800xf32, #tpu.memory_space<hbm>> -> memref<2400xf32, #tpu.memory_space<hbm>>
      %dma_start3A_98 = tpu.memref_slice %arg2[%mul3A_2] : memref<76800xf32, #tpu.memory_space<hbm>> -> memref<2400xf32, #tpu.memory_space<hbm>>
      tpu.enqueue_dma source(%dma_start3A_98 : memref<2400xf32, #tpu.memory_space<hbm>>) target(%arg4 : memref<2400xf32, #tpu.memory_space<vmem>>) target_semaphore(%run_scoped3A : memref<!tpu.dma_semaphore, #tpu.memory_space<semaphore_mem>>)
      %dma_wait3A_99 = tpu.memref_slice %arg2[%mul3A_2] : memref<76800xf32, #tpu.memory_space<hbm>> -> memref<2400xf32, #tpu.memory_space<hbm>>
      %dma_wait3A_100 = tpu.memref_slice %arg2[%mul3A_2] : memref<76800xf32, #tpu.memory_space<hbm>> -> memref<2400xf32, #tpu.memory_space<hbm>>
      tpu.wait_dma2 semaphore(%run_scoped3A : memref<!tpu.dma_semaphore, #tpu.memory_space<semaphore_mem>>) src(%dma_wait3A_100 : memref<2400xf32, #tpu.memory_space<hbm>>) dst(%arg4 : memref<2400xf32, #tpu.memory_space<vmem>>)
      tpu.yield
    }) : () -> ()
    %add3A_3 = arith.constant 0 : i32
    %add3A_4 = arith.addi %add3A_3, %mul3A_2 : i32
    %dma_start3A = tpu.memref_slice %arg3[%add3A_4] : memref<1228800xf32, #tpu.memory_space<hbm>> -> memref<2400xf32, #tpu.memory_space<hbm>>
    %dma_start3A_5 = tpu.memref_slice %arg3[%add3A_4] : memref<1228800xf32, #tpu.memory_space<hbm>> -> memref<2400xf32, #tpu.memory_space<hbm>>
    tpu.enqueue_dma source(%arg4 : memref<2400xf32, #tpu.memory_space<vmem>>) target(%dma_start3A_5 : memref<2400xf32, #tpu.memory_space<hbm>>) target_semaphore(%arg5 : memref<!tpu.dma_semaphore, #tpu.memory_space<semaphore_mem>>)
    %add3A_6 = arith.constant 76800 : i32
    %add3A_7 = arith.addi %add3A_6, %mul3A_2 : i32
    %dma_start3A_8 = tpu.memref_slice %arg3[%add3A_7] : memref<1228800xf32, #tpu.memory_space<hbm>> -> memref<2400xf32, #tpu.memory_space<hbm>>
    %dma_start3A_9 = tpu.memref_slice %arg3[%add3A_7] : memref<1228800xf32, #tpu.memory_space<hbm>> -> memref<2400xf32, #tpu.memory_space<hbm>>
    tpu.enqueue_dma source(%arg4 : memref<2400xf32, #tpu.memory_space<vmem>>) target(%dma_start3A_9 : memref<2400xf32, #tpu.memory_space<hbm>>) target_semaphore(%arg5 : memref<!tpu.dma_semaphore, #tpu.memory_space<semaphore_mem>>)
    %add3A_10 = arith.constant 153600 : i32
    %add3A_11 = arith.addi %add3A_10, %mul3A_2 : i32
    %dma_start3A_12 = tpu.memref_slice %arg3[%add3A_11] : memref<1228800xf32, #tpu.memory_space<hbm>> -> memref<2400xf32, #tpu.memory_space<hbm>>
    %dma_start3A_13 = tpu.memref_slice %arg3[%add3A_11] : memref<1228800xf32, #tpu.memory_space<hbm>> -> memref<2400xf32, #tpu.memory_space<hbm>>
    tpu.enqueue_dma source(%arg4 : memref<2400xf32, #tpu.memory_space<vmem>>) target(%dma_start3A_13 : memref<2400xf32, #tpu.memory_space<hbm>>) target_semaphore(%arg5 : memref<!tpu.dma_semaphore, #tpu.memory_space<semaphore_mem>>)
    %add3A_14 = arith.constant 230400 : i32
    %add3A_15 = arith.addi %add3A_14, %mul3A_2 : i32
    %dma_start3A_16 = tpu.memref_slice %arg3[%add3A_15] : memref<1228800xf32, #tpu.memory_space<hbm>> -> memref<2400xf32, #tpu.memory_space<hbm>>
    %dma_start3A_17 = tpu.memref_slice %arg3[%add3A_15] : memref<1228800xf32, #tpu.memory_space<hbm>> -> memref<2400xf32, #tpu.memory_space<hbm>>
    tpu.enqueue_dma source(%arg4 : memref<2400xf32, #tpu.memory_space<vmem>>) target(%dma_start3A_17 : memref<2400xf32, #tpu.memory_space<hbm>>) target_semaphore(%arg5 : memref<!tpu.dma_semaphore, #tpu.memory_space<semaphore_mem>>)
    %add3A_18 = arith.constant 307200 : i32
    %add3A_19 = arith.addi %add3A_18, %mul3A_2 : i32
    %dma_start3A_20 = tpu.memref_slice %arg3[%add3A_19] : memref<1228800xf32, #tpu.memory_space<hbm>> -> memref<2400xf32, #tpu.memory_space<hbm>>
    %dma_start3A_21 = tpu.memref_slice %arg3[%add3A_19] : memref<1228800xf32, #tpu.memory_space<hbm>> -> memref<2400xf32, #tpu.memory_space<hbm>>
    tpu.enqueue_dma source(%arg4 : memref<2400xf32, #tpu.memory_space<vmem>>) target(%dma_start3A_21 : memref<2400xf32, #tpu.memory_space<hbm>>) target_semaphore(%arg5 : memref<!tpu.dma_semaphore, #tpu.memory_space<semaphore_mem>>)
    %add3A_22 = arith.constant 384000 : i32
    %add3A_23 = arith.addi %add3A_22, %mul3A_2 : i32
    %dma_start3A_24 = tpu.memref_slice %arg3[%add3A_23] : memref<1228800xf32, #tpu.memory_space<hbm>> -> memref<2400xf32, #tpu.memory_space<hbm>>
    %dma_start3A_25 = tpu.memref_slice %arg3[%add3A_23] : memref<1228800xf32, #tpu.memory_space<hbm>> -> memref<2400xf32, #tpu.memory_space<hbm>>
    tpu.enqueue_dma source(%arg4 : memref<2400xf32, #tpu.memory_space<vmem>>) target(%dma_start3A_25 : memref<2400xf32, #tpu.memory_space<hbm>>) target_semaphore(%arg5 : memref<!tpu.dma_semaphore, #tpu.memory_space<semaphore_mem>>)
    %add3A_26 = arith.constant 460800 : i32
    %add3A_27 = arith.addi %add3A_26, %mul3A_2 : i32
    %dma_start3A_28 = tpu.memref_slice %arg3[%add3A_27] : memref<1228800xf32, #tpu.memory_space<hbm>> -> memref<2400xf32, #tpu.memory_space<hbm>>
    %dma_start3A_29 = tpu.memref_slice %arg3[%add3A_27] : memref<1228800xf32, #tpu.memory_space<hbm>> -> memref<2400xf32, #tpu.memory_space<hbm>>
    tpu.enqueue_dma source(%arg4 : memref<2400xf32, #tpu.memory_space<vmem>>) target(%dma_start3A_29 : memref<2400xf32, #tpu.memory_space<hbm>>) target_semaphore(%arg5 : memref<!tpu.dma_semaphore, #tpu.memory_space<semaphore_mem>>)
    %add3A_30 = arith.constant 537600 : i32
    %add3A_31 = arith.addi %add3A_30, %mul3A_2 : i32
    %dma_start3A_32 = tpu.memref_slice %arg3[%add3A_31] : memref<1228800xf32, #tpu.memory_space<hbm>> -> memref<2400xf32, #tpu.memory_space<hbm>>
    %dma_start3A_33 = tpu.memref_slice %arg3[%add3A_31] : memref<1228800xf32, #tpu.memory_space<hbm>> -> memref<2400xf32, #tpu.memory_space<hbm>>
    tpu.enqueue_dma source(%arg4 : memref<2400xf32, #tpu.memory_space<vmem>>) target(%dma_start3A_33 : memref<2400xf32, #tpu.memory_space<hbm>>) target_semaphore(%arg5 : memref<!tpu.dma_semaphore, #tpu.memory_space<semaphore_mem>>)
    %add3A_34 = arith.constant 614400 : i32
    %add3A_35 = arith.addi %add3A_34, %mul3A_2 : i32
    %dma_start3A_36 = tpu.memref_slice %arg3[%add3A_35] : memref<1228800xf32, #tpu.memory_space<hbm>> -> memref<2400xf32, #tpu.memory_space<hbm>>
    %dma_start3A_37 = tpu.memref_slice %arg3[%add3A_35] : memref<1228800xf32, #tpu.memory_space<hbm>> -> memref<2400xf32, #tpu.memory_space<hbm>>
    tpu.enqueue_dma source(%arg4 : memref<2400xf32, #tpu.memory_space<vmem>>) target(%dma_start3A_37 : memref<2400xf32, #tpu.memory_space<hbm>>) target_semaphore(%arg5 : memref<!tpu.dma_semaphore, #tpu.memory_space<semaphore_mem>>)
    %add3A_38 = arith.constant 691200 : i32
    %add3A_39 = arith.addi %add3A_38, %mul3A_2 : i32
    %dma_start3A_40 = tpu.memref_slice %arg3[%add3A_39] : memref<1228800xf32, #tpu.memory_space<hbm>> -> memref<2400xf32, #tpu.memory_space<hbm>>
    %dma_start3A_41 = tpu.memref_slice %arg3[%add3A_39] : memref<1228800xf32, #tpu.memory_space<hbm>> -> memref<2400xf32, #tpu.memory_space<hbm>>
    tpu.enqueue_dma source(%arg4 : memref<2400xf32, #tpu.memory_space<vmem>>) target(%dma_start3A_41 : memref<2400xf32, #tpu.memory_space<hbm>>) target_semaphore(%arg5 : memref<!tpu.dma_semaphore, #tpu.memory_space<semaphore_mem>>)
    %add3A_42 = arith.constant 768000 : i32
    %add3A_43 = arith.addi %add3A_42, %mul3A_2 : i32
    %dma_start3A_44 = tpu.memref_slice %arg3[%add3A_43] : memref<1228800xf32, #tpu.memory_space<hbm>> -> memref<2400xf32, #tpu.memory_space<hbm>>
    %dma_start3A_45 = tpu.memref_slice %arg3[%add3A_43] : memref<1228800xf32, #tpu.memory_space<hbm>> -> memref<2400xf32, #tpu.memory_space<hbm>>
    tpu.enqueue_dma source(%arg4 : memref<2400xf32, #tpu.memory_space<vmem>>) target(%dma_start3A_45 : memref<2400xf32, #tpu.memory_space<hbm>>) target_semaphore(%arg5 : memref<!tpu.dma_semaphore, #tpu.memory_space<semaphore_mem>>)
    %add3A_46 = arith.constant 844800 : i32
    %add3A_47 = arith.addi %add3A_46, %mul3A_2 : i32
    %dma_start3A_48 = tpu.memref_slice %arg3[%add3A_47] : memref<1228800xf32, #tpu.memory_space<hbm>> -> memref<2400xf32, #tpu.memory_space<hbm>>
    %dma_start3A_49 = tpu.memref_slice %arg3[%add3A_47] : memref<1228800xf32, #tpu.memory_space<hbm>> -> memref<2400xf32, #tpu.memory_space<hbm>>
    tpu.enqueue_dma source(%arg4 : memref<2400xf32, #tpu.memory_space<vmem>>) target(%dma_start3A_49 : memref<2400xf32, #tpu.memory_space<hbm>>) target_semaphore(%arg5 : memref<!tpu.dma_semaphore, #tpu.memory_space<semaphore_mem>>)
    %add3A_50 = arith.constant 921600 : i32
    %add3A_51 = arith.addi %add3A_50, %mul3A_2 : i32
    %dma_start3A_52 = tpu.memref_slice %arg3[%add3A_51] : memref<1228800xf32, #tpu.memory_space<hbm>> -> memref<2400xf32, #tpu.memory_space<hbm>>
    %dma_start3A_53 = tpu.memref_slice %arg3[%add3A_51] : memref<1228800xf32, #tpu.memory_space<hbm>> -> memref<2400xf32, #tpu.memory_space<hbm>>
    tpu.enqueue_dma source(%arg4 : memref<2400xf32, #tpu.memory_space<vmem>>) target(%dma_start3A_53 : memref<2400xf32, #tpu.memory_space<hbm>>) target_semaphore(%arg5 : memref<!tpu.dma_semaphore, #tpu.memory_space<semaphore_mem>>)
    %add3A_54 = arith.constant 998400 : i32
    %add3A_55 = arith.addi %add3A_54, %mul3A_2 : i32
    %dma_start3A_56 = tpu.memref_slice %arg3[%add3A_55] : memref<1228800xf32, #tpu.memory_space<hbm>> -> memref<2400xf32, #tpu.memory_space<hbm>>
    %dma_start3A_57 = tpu.memref_slice %arg3[%add3A_55] : memref<1228800xf32, #tpu.memory_space<hbm>> -> memref<2400xf32, #tpu.memory_space<hbm>>
    tpu.enqueue_dma source(%arg4 : memref<2400xf32, #tpu.memory_space<vmem>>) target(%dma_start3A_57 : memref<2400xf32, #tpu.memory_space<hbm>>) target_semaphore(%arg5 : memref<!tpu.dma_semaphore, #tpu.memory_space<semaphore_mem>>)
    %add3A_58 = arith.constant 1075200 : i32
    %add3A_59 = arith.addi %add3A_58, %mul3A_2 : i32
    %dma_start3A_60 = tpu.memref_slice %arg3[%add3A_59] : memref<1228800xf32, #tpu.memory_space<hbm>> -> memref<2400xf32, #tpu.memory_space<hbm>>
    %dma_start3A_61 = tpu.memref_slice %arg3[%add3A_59] : memref<1228800xf32, #tpu.memory_space<hbm>> -> memref<2400xf32, #tpu.memory_space<hbm>>
    tpu.enqueue_dma source(%arg4 : memref<2400xf32, #tpu.memory_space<vmem>>) target(%dma_start3A_61 : memref<2400xf32, #tpu.memory_space<hbm>>) target_semaphore(%arg5 : memref<!tpu.dma_semaphore, #tpu.memory_space<semaphore_mem>>)
    %add3A_62 = arith.constant 1152000 : i32
    %add3A_63 = arith.addi %add3A_62, %mul3A_2 : i32
    %dma_start3A_64 = tpu.memref_slice %arg3[%add3A_63] : memref<1228800xf32, #tpu.memory_space<hbm>> -> memref<2400xf32, #tpu.memory_space<hbm>>
    %dma_start3A_65 = tpu.memref_slice %arg3[%add3A_63] : memref<1228800xf32, #tpu.memory_space<hbm>> -> memref<2400xf32, #tpu.memory_space<hbm>>
    tpu.enqueue_dma source(%arg4 : memref<2400xf32, #tpu.memory_space<vmem>>) target(%dma_start3A_65 : memref<2400xf32, #tpu.memory_space<hbm>>) target_semaphore(%arg5 : memref<!tpu.dma_semaphore, #tpu.memory_space<semaphore_mem>>)
    %dma_wait3A = tpu.memref_slice %arg3[%add3A_4] : memref<1228800xf32, #tpu.memory_space<hbm>> -> memref<2400xf32, #tpu.memory_space<hbm>>
    %dma_wait3A_66 = tpu.memref_slice %arg3[%add3A_4] : memref<1228800xf32, #tpu.memory_space<hbm>> -> memref<2400xf32, #tpu.memory_space<hbm>>
    tpu.wait_dma2 semaphore(%arg5 : memref<!tpu.dma_semaphore, #tpu.memory_space<semaphore_mem>>) src(%arg4 : memref<2400xf32, #tpu.memory_space<vmem>>) dst(%dma_wait3A_66 : memref<2400xf32, #tpu.memory_space<hbm>>)
    %dma_wait3A_67 = tpu.memref_slice %arg3[%add3A_7] : memref<1228800xf32, #tpu.memory_space<hbm>> -> memref<2400xf32, #tpu.memory_space<hbm>>
    %dma_wait3A_68 = tpu.memref_slice %arg3[%add3A_7] : memref<1228800xf32, #tpu.memory_space<hbm>> -> memref<2400xf32, #tpu.memory_space<hbm>>
    tpu.wait_dma2 semaphore(%arg5 : memref<!tpu.dma_semaphore, #tpu.memory_space<semaphore_mem>>) src(%arg4 : memref<2400xf32, #tpu.memory_space<vmem>>) dst(%dma_wait3A_68 : memref<2400xf32, #tpu.memory_space<hbm>>)
    %dma_wait3A_69 = tpu.memref_slice %arg3[%add3A_11] : memref<1228800xf32, #tpu.memory_space<hbm>> -> memref<2400xf32, #tpu.memory_space<hbm>>
    %dma_wait3A_70 = tpu.memref_slice %arg3[%add3A_11] : memref<1228800xf32, #tpu.memory_space<hbm>> -> memref<2400xf32, #tpu.memory_space<hbm>>
    tpu.wait_dma2 semaphore(%arg5 : memref<!tpu.dma_semaphore, #tpu.memory_space<semaphore_mem>>) src(%arg4 : memref<2400xf32, #tpu.memory_space<vmem>>) dst(%dma_wait3A_70 : memref<2400xf32, #tpu.memory_space<hbm>>)
    %dma_wait3A_71 = tpu.memref_slice %arg3[%add3A_15] : memref<1228800xf32, #tpu.memory_space<hbm>> -> memref<2400xf32, #tpu.memory_space<hbm>>
    %dma_wait3A_72 = tpu.memref_slice %arg3[%add3A_15] : memref<1228800xf32, #tpu.memory_space<hbm>> -> memref<2400xf32, #tpu.memory_space<hbm>>
    tpu.wait_dma2 semaphore(%arg5 : memref<!tpu.dma_semaphore, #tpu.memory_space<semaphore_mem>>) src(%arg4 : memref<2400xf32, #tpu.memory_space<vmem>>) dst(%dma_wait3A_72 : memref<2400xf32, #tpu.memory_space<hbm>>)
    %dma_wait3A_73 = tpu.memref_slice %arg3[%add3A_19] : memref<1228800xf32, #tpu.memory_space<hbm>> -> memref<2400xf32, #tpu.memory_space<hbm>>
    %dma_wait3A_74 = tpu.memref_slice %arg3[%add3A_19] : memref<1228800xf32, #tpu.memory_space<hbm>> -> memref<2400xf32, #tpu.memory_space<hbm>>
    tpu.wait_dma2 semaphore(%arg5 : memref<!tpu.dma_semaphore, #tpu.memory_space<semaphore_mem>>) src(%arg4 : memref<2400xf32, #tpu.memory_space<vmem>>) dst(%dma_wait3A_74 : memref<2400xf32, #tpu.memory_space<hbm>>)
    %dma_wait3A_75 = tpu.memref_slice %arg3[%add3A_23] : memref<1228800xf32, #tpu.memory_space<hbm>> -> memref<2400xf32, #tpu.memory_space<hbm>>
    %dma_wait3A_76 = tpu.memref_slice %arg3[%add3A_23] : memref<1228800xf32, #tpu.memory_space<hbm>> -> memref<2400xf32, #tpu.memory_space<hbm>>
    tpu.wait_dma2 semaphore(%arg5 : memref<!tpu.dma_semaphore, #tpu.memory_space<semaphore_mem>>) src(%arg4 : memref<2400xf32, #tpu.memory_space<vmem>>) dst(%dma_wait3A_76 : memref<2400xf32, #tpu.memory_space<hbm>>)
    %dma_wait3A_77 = tpu.memref_slice %arg3[%add3A_27] : memref<1228800xf32, #tpu.memory_space<hbm>> -> memref<2400xf32, #tpu.memory_space<hbm>>
    %dma_wait3A_78 = tpu.memref_slice %arg3[%add3A_27] : memref<1228800xf32, #tpu.memory_space<hbm>> -> memref<2400xf32, #tpu.memory_space<hbm>>
    tpu.wait_dma2 semaphore(%arg5 : memref<!tpu.dma_semaphore, #tpu.memory_space<semaphore_mem>>) src(%arg4 : memref<2400xf32, #tpu.memory_space<vmem>>) dst(%dma_wait3A_78 : memref<2400xf32, #tpu.memory_space<hbm>>)
    %dma_wait3A_79 = tpu.memref_slice %arg3[%add3A_31] : memref<1228800xf32, #tpu.memory_space<hbm>> -> memref<2400xf32, #tpu.memory_space<hbm>>
    %dma_wait3A_80 = tpu.memref_slice %arg3[%add3A_31] : memref<1228800xf32, #tpu.memory_space<hbm>> -> memref<2400xf32, #tpu.memory_space<hbm>>
    tpu.wait_dma2 semaphore(%arg5 : memref<!tpu.dma_semaphore, #tpu.memory_space<semaphore_mem>>) src(%arg4 : memref<2400xf32, #tpu.memory_space<vmem>>) dst(%dma_wait3A_80 : memref<2400xf32, #tpu.memory_space<hbm>>)
    %dma_wait3A_81 = tpu.memref_slice %arg3[%add3A_35] : memref<1228800xf32, #tpu.memory_space<hbm>> -> memref<2400xf32, #tpu.memory_space<hbm>>
    %dma_wait3A_82 = tpu.memref_slice %arg3[%add3A_35] : memref<1228800xf32, #tpu.memory_space<hbm>> -> memref<2400xf32, #tpu.memory_space<hbm>>
    tpu.wait_dma2 semaphore(%arg5 : memref<!tpu.dma_semaphore, #tpu.memory_space<semaphore_mem>>) src(%arg4 : memref<2400xf32, #tpu.memory_space<vmem>>) dst(%dma_wait3A_82 : memref<2400xf32, #tpu.memory_space<hbm>>)
    %dma_wait3A_83 = tpu.memref_slice %arg3[%add3A_39] : memref<1228800xf32, #tpu.memory_space<hbm>> -> memref<2400xf32, #tpu.memory_space<hbm>>
    %dma_wait3A_84 = tpu.memref_slice %arg3[%add3A_39] : memref<1228800xf32, #tpu.memory_space<hbm>> -> memref<2400xf32, #tpu.memory_space<hbm>>
    tpu.wait_dma2 semaphore(%arg5 : memref<!tpu.dma_semaphore, #tpu.memory_space<semaphore_mem>>) src(%arg4 : memref<2400xf32, #tpu.memory_space<vmem>>) dst(%dma_wait3A_84 : memref<2400xf32, #tpu.memory_space<hbm>>)
    %dma_wait3A_85 = tpu.memref_slice %arg3[%add3A_43] : memref<1228800xf32, #tpu.memory_space<hbm>> -> memref<2400xf32, #tpu.memory_space<hbm>>
    %dma_wait3A_86 = tpu.memref_slice %arg3[%add3A_43] : memref<1228800xf32, #tpu.memory_space<hbm>> -> memref<2400xf32, #tpu.memory_space<hbm>>
    tpu.wait_dma2 semaphore(%arg5 : memref<!tpu.dma_semaphore, #tpu.memory_space<semaphore_mem>>) src(%arg4 : memref<2400xf32, #tpu.memory_space<vmem>>) dst(%dma_wait3A_86 : memref<2400xf32, #tpu.memory_space<hbm>>)
    %dma_wait3A_87 = tpu.memref_slice %arg3[%add3A_47] : memref<1228800xf32, #tpu.memory_space<hbm>> -> memref<2400xf32, #tpu.memory_space<hbm>>
    %dma_wait3A_88 = tpu.memref_slice %arg3[%add3A_47] : memref<1228800xf32, #tpu.memory_space<hbm>> -> memref<2400xf32, #tpu.memory_space<hbm>>
    tpu.wait_dma2 semaphore(%arg5 : memref<!tpu.dma_semaphore, #tpu.memory_space<semaphore_mem>>) src(%arg4 : memref<2400xf32, #tpu.memory_space<vmem>>) dst(%dma_wait3A_88 : memref<2400xf32, #tpu.memory_space<hbm>>)
    %dma_wait3A_89 = tpu.memref_slice %arg3[%add3A_51] : memref<1228800xf32, #tpu.memory_space<hbm>> -> memref<2400xf32, #tpu.memory_space<hbm>>
    %dma_wait3A_90 = tpu.memref_slice %arg3[%add3A_51] : memref<1228800xf32, #tpu.memory_space<hbm>> -> memref<2400xf32, #tpu.memory_space<hbm>>
    tpu.wait_dma2 semaphore(%arg5 : memref<!tpu.dma_semaphore, #tpu.memory_space<semaphore_mem>>) src(%arg4 : memref<2400xf32, #tpu.memory_space<vmem>>) dst(%dma_wait3A_90 : memref<2400xf32, #tpu.memory_space<hbm>>)
    %dma_wait3A_91 = tpu.memref_slice %arg3[%add3A_55] : memref<1228800xf32, #tpu.memory_space<hbm>> -> memref<2400xf32, #tpu.memory_space<hbm>>
    %dma_wait3A_92 = tpu.memref_slice %arg3[%add3A_55] : memref<1228800xf32, #tpu.memory_space<hbm>> -> memref<2400xf32, #tpu.memory_space<hbm>>
    tpu.wait_dma2 semaphore(%arg5 : memref<!tpu.dma_semaphore, #tpu.memory_space<semaphore_mem>>) src(%arg4 : memref<2400xf32, #tpu.memory_space<vmem>>) dst(%dma_wait3A_92 : memref<2400xf32, #tpu.memory_space<hbm>>)
    %dma_wait3A_93 = tpu.memref_slice %arg3[%add3A_59] : memref<1228800xf32, #tpu.memory_space<hbm>> -> memref<2400xf32, #tpu.memory_space<hbm>>
    %dma_wait3A_94 = tpu.memref_slice %arg3[%add3A_59] : memref<1228800xf32, #tpu.memory_space<hbm>> -> memref<2400xf32, #tpu.memory_space<hbm>>
    tpu.wait_dma2 semaphore(%arg5 : memref<!tpu.dma_semaphore, #tpu.memory_space<semaphore_mem>>) src(%arg4 : memref<2400xf32, #tpu.memory_space<vmem>>) dst(%dma_wait3A_94 : memref<2400xf32, #tpu.memory_space<hbm>>)
    %dma_wait3A_95 = tpu.memref_slice %arg3[%add3A_63] : memref<1228800xf32, #tpu.memory_space<hbm>> -> memref<2400xf32, #tpu.memory_space<hbm>>
    %dma_wait3A_96 = tpu.memref_slice %arg3[%add3A_63] : memref<1228800xf32, #tpu.memory_space<hbm>> -> memref<2400xf32, #tpu.memory_space<hbm>>
    tpu.wait_dma2 semaphore(%arg5 : memref<!tpu.dma_semaphore, #tpu.memory_space<semaphore_mem>>) src(%arg4 : memref<2400xf32, #tpu.memory_space<vmem>>) dst(%dma_wait3A_96 : memref<2400xf32, #tpu.memory_space<hbm>>)
    return
  }
}

</mosaic_0001>

<sc_bundles>
// kernel: kernel.3.cloned.1.call-start
scs
__scs_entry_jumppad:
0x0: {  	(pc) =	sbr.rel $0x88, $3  }
0x1: {  	(tag) =	ssettag $0x0;
	lr =	simm.s32 $0x1  }
0x2: {  	[smem:$0x3FA0] =	sst lr;
	_ =	strace $0xD0000000  }
0x3: {  	_ = 	snop  }
0x4: {  	_ = 	snop  }
0x5: {  	_ = 	snop  }
0x6: {  	_ = 	snop  }
0x7: {  	_ = 	snop  }
__scs_overlays_trampoline_lowered:
0x8: {  	[smem:$0x3FAF] =	sst s0  }
0x9: {  	[smem:$0x3FB0] =	sst s1  }
0xa: {  	[smem:$0x3FB1] =	sst s2  }
0xb: {  	[smem:$0x3FB2] =	sst s3  }
0xc: {  	[smem:$0x3FB3] =	sst s4  }
0xd: {  	[smem:$0x3FB4] =	sst s5  }
0xe: {  	[smem:$0x3FB5] =	sst s6  }
0xf: {  	[smem:$0x3FB6] =	sst s7  }
0x10: {  	[smem:$0x3FB7] =	sst s8  }
0x11: {  	[smem:$0x3FB8] =	sst s9;
	s0 =	simm.s32 @!p0 $0x0  }
0x12: {  	s1 =	sld [smem:$0x3F9E];
	s0 =	simm.s32 @p0 $0x1  }
0x13: {  	[smem:$0x3FB9] =	sst s0;
	s0 =	simm.s32 @!p1 $0x0  }
0x14: {  	s2 =	sld [smem:$0x3F9D];
	s0 =	simm.s32 @p1 $0x1  }
0x15: {  	[smem:$0x3FBA] =	sst s0;
	s0 =	simm.s32 @!p2 $0x0  }
0x16: {  	s3 =	sld [smem:$0x3FDB];
	s0 =	simm.s32 @p2 $0x1  }
0x17: {  	s4 =	simm.s32 $0x1BF5;
	[smem:$0x3FBC] =	sst s0  }
0x18: {  	s0 =	sld [smem:$0x3F9F];
	_ =	swait.ge [sflag:s4], $0x0  }
0x19: {  	s7 =	sld [smem:$0x3FA0]  }
0x1a: {  	s8 =	sadd.s32 $0xFFFFE003, lr  }
0x1b: {  	s9 =	sadd.s32 $0xFFFFFEF7, lr;
	s5 =	simm.s32 $0xFFFFFFFF;
	p2 =	slt.u32 s8, $0xFFFFF086  }
0x1c: {  	p1 =	slt.u32 s9, $0xF7A;
	s5 =	simm.s32 @!p2 $0x0  }
0x1d: {  	s5 =	simm.s32 @p1 $0x1;
	p0 =	seq.s32 s7, s2  }
0x1e: {  	s7 =	smul.u32 @!p0 $0xF7A, s2;
	p2 =	seq.s32 @!p0 s5, $0x0  }
0x1f: {  	s9 =	smul.u32 $0xF7A, s1;
	s8 =	simm.s32 @!p0 $0x1BF5;
	p2 =	por !p2, p0  }
0x20: {  	[sflag:s8] =	ssyncset.s32 @!p0 $0xFFFFF086;
	s6 =	sadd.s32 @!p0 s3, s7;
	s7 =	simm.s32 @!p0 $0x108  }
0x21: {  	s3 =	sadd.s32 s3, s9;
	s6 =	sadd.s32 @!p0 $0x88, s6;
	s7 =	simm.s32 @p2 $0x1082  }
0x22: {  	[simem:s7], [sflag:s8] =	dma.local @!p0 [hbm:s6], $0xF7A  }
0x23: {  	s9 =	sor.u32 $0xD0000000, s2;
	s6 =	simm.s32 $0x108;
	_ =	swait.ge @!p0 [sflag:s8], $0x0  }
0x24: {  	s3 =	sadd.s32 $0x88, s3;
	s6 =	simm.s32 @!p1 $0x1082;
	[sflag:s4] =	ssyncset.s32 $0xFFFFF086  }
0x25: {  	[simem:s6], [sflag:s4] =	dma.local [hbm:s3], $0xF7A  }
0x26: {  	[smem:$0x3FA0] =	sst s1;
	(tag) =	ssettag s2;
	_ =	strace s9  }
0x27: {  	s1 =	sld [smem:$0x3FB0]  }
0x28: {  	s2 =	sld [smem:$0x3FB1]  }
0x29: {  	s4 =	sld [smem:$0x3FB3]  }
0x2a: {  	p0 =	seq.s32 s5, $0x0;
	s5 =	sld [smem:$0x3FB4]  }
0x2b: {  	s6 =	sld [smem:$0x3FB5]  }
0x2c: {  	s7 =	sld [smem:$0x3FB6]  }
0x2d: {  	s3 =	simm.s32 $0x108;
	s8 =	sld [smem:$0x3FB7]  }
0x2e: {  	s3 =	simm.s32 @!p0 $0x1082;
	s9 =	sld [smem:$0x3FB8]  }
0x2f: {  	lr =	sadd.s32 s0, s3;
	s0 =	sld [smem:$0x3FAF]  }
0x30: {  	s3 =	sld [smem:$0x3FB2]  }
0x31: {  	[smem:$0x3FBB] =	sst s10  }
0x32: {  	s10 =	sld [smem:$0x3FB9];
	_ =	sdelay $0x3  }
0x33: {  	p0 =	seq.s32 s10, $0x1;
	s10 =	sld [smem:$0x3FBB];
	_ =	sdelay $0x3  }
0x34: {  	[smem:$0x3FBB] =	sst s10  }
0x35: {  	s10 =	sld [smem:$0x3FBA];
	_ =	sdelay $0x3  }
0x36: {  	p1 =	seq.s32 s10, $0x1;
	s10 =	sld [smem:$0x3FBB];
	_ =	sdelay $0x3  }
0x37: {  	[smem:$0x3FBB] =	sst s10  }
0x38: {  	s10 =	sld [smem:$0x3FBC]  }
0x39: {  	_ = 	snop;
	(pc) =	sbr.ind lr, $3  }
0x3a: {  	_ = 	snop  }
0x3b: {  	_ = 	snop  }
0x3c: {  	p2 =	seq.s32 s10, $0x1;
	s10 =	sld [smem:$0x3FBB]  }
0x3d: {  	_ =	shalt  }
0x3e: {  	_ =	shalt  }
0x3f: {  	_ =	shalt  }
0x40: {  	_ =	shalt  }
0x41: {  	_ =	shalt  }
0x42: {  	_ =	shalt  }
0x43: {  	_ =	shalt  }
0x44: {  	_ =	shalt  }
0x45: {  	_ =	shalt  }
0x46: {  	_ =	shalt  }
0x47: {  	_ =	shalt  }
0x48: {  	_ =	shalt  }
0x49: {  	_ =	shalt  }
0x4a: {  	_ =	shalt  }
0x4b: {  	_ =	shalt  }
0x4c: {  	_ =	shalt  }
0x4d: {  	_ =	shalt  }
0x4e: {  	_ =	shalt  }
0x4f: {  	_ =	shalt  }
0x50: {  	_ =	shalt  }
0x51: {  	_ =	shalt  }
0x52: {  	_ =	shalt  }
0x53: {  	_ =	shalt  }
0x54: {  	_ =	shalt  }
0x55: {  	_ =	shalt  }
0x56: {  	_ =	shalt  }
0x57: {  	_ =	shalt  }
0x58: {  	_ =	shalt  }
0x59: {  	_ =	shalt  }
0x5a: {  	_ =	shalt  }
0x5b: {  	_ =	shalt  }
0x5c: {  	_ =	shalt  }
0x5d: {  	_ =	shalt  }
0x5e: {  	_ =	shalt  }
0x5f: {  	_ =	shalt  }
0x60: {  	_ =	shalt  }
0x61: {  	_ =	shalt  }
0x62: {  	_ =	shalt  }
0x63: {  	_ =	shalt  }
0x64: {  	_ =	shalt  }
0x65: {  	_ =	shalt  }
0x66: {  	_ =	shalt  }
0x67: {  	_ =	shalt  }
0x68: {  	_ =	shalt  }
0x69: {  	_ =	shalt  }
0x6a: {  	_ =	shalt  }
0x6b: {  	_ =	shalt  }
0x6c: {  	_ =	shalt  }
0x6d: {  	_ =	shalt  }
0x6e: {  	_ =	shalt  }
0x6f: {  	_ =	shalt  }
0x70: {  	_ =	shalt  }
0x71: {  	_ =	shalt  }
0x72: {  	_ =	shalt  }
0x73: {  	_ =	shalt  }
0x74: {  	_ =	shalt  }
0x75: {  	_ =	shalt  }
0x76: {  	_ =	shalt  }
0x77: {  	_ =	shalt  }
0x78: {  	_ =	shalt  }
0x79: {  	_ =	shalt  }
0x7a: {  	_ =	shalt  }
0x7b: {  	_ =	shalt  }
0x7c: {  	_ =	shalt  }
0x7d: {  	_ =	shalt  }
0x7e: {  	_ =	shalt  }
0x7f: {  	_ =	shalt  }
0x80: {  	_ =	shalt  }
0x81: {  	_ =	shalt  }
0x82: {  	_ =	shalt  }
0x83: {  	_ =	shalt  }
0x84: {  	_ =	shalt  }
0x85: {  	_ =	shalt  }
0x86: {  	_ =	shalt  }
0x87: {  	_ =	shalt  }
.Lfunc_end0:
.L_simem_size_0:
called_computation_lowered:
.L_overlay_start_0:
0x88: {  	s2 =	sld [smem:$0x3FD9]  }
0x89: {  	s3 =	sld [smem:$0x3FFE];
	_ =	sdelay $0x1  }
0x8a: {  	s1 =	srdreg.scid  }
0x8b: {  	s0 =	sand.u32 $0x1, s1  }
0x8c: {  	s17 =	sshll.u32 s0, $0xA;
	s2 =	sadd.s32 s3, s2  }
0x8d: {  	s2 =	sadd.s32 s2, s17  }
0x8e: {  	[smem:$0x3FC7] =	sst s2  }
0x8f: {  	_ = 	snop  }
0x90: {  	s2 =	sld [smem:$0x3FD0];
	(tm) =	ssettm $0x1  }
0x91: {  	s18 =	sld [smem:$0x3FFB];
	_ =	sdelay $0x3  }
0x92: {  	_ =	strace s18  }
0x93: {  	s3 =	sld [smem:$0x3FFC];
	_ =	sdelay $0x3  }
0x94: {  	_ =	strace s3  }
0x95: {  	s3 =	sld [smem:$0x3FFD];
	_ =	sdelay $0x3  }
0x96: {  	_ =	strace s3  }
0x97: {  	_ =	strace $0x8FFFFFFF  }
0x98: {  	s19 =	sld [smem:$0x3FDB];
	_ =	sdelay $0x1  }
0x99: {  	s4 =	simm.s32 $_scs_section_size  }
0x9a: {  	s5 =	simm.s32 $_size__tile_overlayer_lowered;
	s6 =	simm.s32 $_tile_overlayer_lowered  }
0x9b: {  	s22 =	simm.s32 $0x1BFF;
	s21 =	sshll.u32 s6, $0x1;
	s3 =	sadd.s32 s4, s19  }
0x9c: {  	s7 =	simm.s32 $0x0;
	s20 =	sshll.u32 s5, $0x1;
	s5 =	sadd.s32 s21, s3  }
0x9d: {  	[timem:s7], [sflag:s22] =	dma.local [hbm:s5], s20  }
0x9e: {  	_ =	swait.ge [sflag:s22], s20  }
0x9f: {  	s4 =	ssub.s32 $0x0, s20;
	[sflag:s22] =	ssyncset.done $0x0  }
0xa0: {  	[sflag:s22] =	ssyncadd.s32 s4;
	_ =	sdelay $0x1  }
0xa1: {  	s23 =	simm.s32 $0x1B8B  }
0xa2: {  	_ =	swait.ge [sflag:s23], $0x1  }
0xa3: {  	[sflag:s23] =	ssyncset.done $0x0  }
0xa4: {  	s25 =	simm.s32 $0x1B8E;
	s24 =	sld [smem:$0x3FFE];
	[sflag:s23] =	ssyncadd.s32 $0xFFFFFFFF  }
0xa5: {  	s26 =	simm.s32 $execute0_lowered;
	[smem:$0x3FD2] =	sst s25  }
0xa6: {  	s5 =	sshll.u32 s26, $0x1;
	_ =	strace $0x80000046;
	[dreg:$0x1] =	wrdreg $0xFFFFFFFF  }
0xa7: {  	s28 =	simm.s32 $_size_execute0_lowered;
	s3 =	sadd.s32 s3, s5;
	[dreg:$0x0] =	wrdreg $0x0  }
0xa8: {  	s5 =	sshll.u32 s28, $0x1;
	[dreg:$0x2] =	wrdreg s3  }
0xa9: {  	[dreg:$0x3] =	wrdreg s5  }
0xaa: {  	[dreg:$0x4] =	wrdreg $0xC0  }
0xab: {  	_ =	task [dreg:s7], $0x5FFFF  }
0xac: {  	[dreg:$0x1] =	wrdreg $0xFFFFFFFF  }
0xad: {  	[dreg:$0x0] =	wrdreg $0x60  }
0xae: {  	[dreg:$0x2] =	wrdreg s24  }
0xaf: {  	[dreg:$0x3] =	wrdreg s2  }
0xb0: {  	[dreg:$0x4] =	wrdreg $0x9  }
0xb1: {  	_ =	task.clear_ibuf [dreg:s7], $0x5FFFF;
	_ =	strace $0x90000046  }
0xb2: {  	s29 =	simm.s32 $0x9;
	_ =	strace $0x80000048  }
0xb3: {  	_ =	swait.ge [sflag:s29], $0x1  }
0xb4: {  	[sflag:s29] =	ssyncadd.s32 $0xFFFFFFFF  }
0xb5: {  	_ =	strace $0x90000048  }
0xb6: {  	_ =	sfence  }
0xb7: {  	s30 =	sld [smem:$0x0];
	_ =	sdelay $0x2  }
0xb8: {  	s31 =	sshll.u32 s1, $0xD;
	s1 =	sshrl.u32 s1, $0x2  }
0xb9: {  	s3 =	sand.u32 $0x4000, s31;
	s1 =	sadd.s32 s1, s30  }
0xba: {  	s0 =	sor.u32 s3, s0;
	s1 =	sshll.u32 s1, $0x11  }
0xbb: {  	s0 =	sor.u32 s1, s0  }
0xbc: {  	s0 =	sadd.s32 $0x8F2B, s0  }
0xbd: {  	[sflag:s0] =	ssyncadd.remote.s32 $0x1  }
0xbe: {  	_ =	sfence.sel $0xFFFF  }
0xbf: {  	[dreg:$0x0] =	wrdreg $0xFFFFFFFF;
	(pc) =	sbr.abs _section_cstart, $3  }
0xc0: {  	[dreg:$0x1] =	wrdreg $0xFFFFFFFF  }
0xc1: {  	_ =	task.clear_ibuf [dreg:s7], $0x2FFFF;
	_ =	strace $0x9FFFFFFF  }
0xc2: {  	(tm) =	ssettm $0x7FFFFFFF  }
0xc3: {  	_ =	shalt  }
tec
execute0_lowered:
.L_overlay_start_1:
0x0: {  	(tag) =	ssettag $0x1  }
0x1: {  	s0 =	srdreg.scid  }
0x2: {  	s22 =	sand.u32 $0x1, s0  }
0x3: {  	s0 =	stileid.u32;
	s1 =	sshll.u32 s22, $0x4  }
0x4: {  	s1 =	sor.u32 s0, s1  }
0x5: {  	s3 =	rddreg [dreg:$0x0];
	s4 =	smul.u32 $0x960, s1  }
0x6: {  	s5 =	rddreg [dreg:$0x1];
	s2 =	simm.s32 $0x0  }
0x7: {  	[smem:$0x7FF] =	sst s2;
	s6 =	sshrl.u32 s4, $0x3  }
0x8: {  	s1 =	rddreg [dreg:$0x2];
	s3 =	sadd.s32 s6, s3  }
0x9: {  	_ =	strace $0x80000047;
	s4 =	simm.s32 $0x2;
	s3 =	sadd.s32 $0x400, s3  }
0xa: {  	[tilespmem:s2], [sflag:$0x2] =	stream.linear.gather [hbm4b:s3+s2], $0x960, $0x38;
	[tilespmem:$0x980] =	vst v63  }
0xb: {  	_ =	swait.ge [sflag:s4], $0x960  }
0xc: {  	[sflag:s4] =	ssyncset.done $0x0  }
0xd: {  	s5 =	sadd.s32 s5, s6;
	[sflag:s4] =	ssyncadd.s32 $0xFFFFF6A0  }
0xe: {  	[hbm4b:s5+s2] =	stream.linear.scatter [tilespmem:s2], [sflag:$0x1], $0x960, $0x38;
	[tilespmem:$0x980] =	vst v63  }
0xf: {  	s6 =	sadd.s32 $0x2580, s5  }
0x10: {  	[hbm4b:s6+s2] =	stream.linear.scatter [tilespmem:s2], [sflag:$0x1], $0x960, $0x38;
	[tilespmem:$0x980] =	vst v63  }
0x11: {  	s7 =	sadd.s32 $0x4B00, s5  }
0x12: {  	[hbm4b:s7+s2] =	stream.linear.scatter [tilespmem:s2], [sflag:$0x1], $0x960, $0x38;
	[tilespmem:$0x980] =	vst v63  }
0x13: {  	s8 =	sadd.s32 $0x7080, s5  }
0x14: {  	[hbm4b:s8+s2] =	stream.linear.scatter [tilespmem:s2], [sflag:$0x1], $0x960, $0x38;
	[tilespmem:$0x980] =	vst v63  }
0x15: {  	s9 =	sadd.s32 $0x9600, s5  }
0x16: {  	[hbm4b:s9+s2] =	stream.linear.scatter [tilespmem:s2], [sflag:$0x1], $0x960, $0x38;
	[tilespmem:$0x980] =	vst v63  }
0x17: {  	s10 =	sadd.s32 $0xBB80, s5  }
0x18: {  	[hbm4b:s10+s2] =	stream.linear.scatter [tilespmem:s2], [sflag:$0x1], $0x960, $0x38;
	[tilespmem:$0x980] =	vst v63  }
0x19: {  	s11 =	sadd.s32 $0xE100, s5  }
0x1a: {  	[hbm4b:s11+s2] =	stream.linear.scatter [tilespmem:s2], [sflag:$0x1], $0x960, $0x38;
	[tilespmem:$0x980] =	vst v63  }
0x1b: {  	s12 =	sadd.s32 $0x10680, s5  }
0x1c: {  	[hbm4b:s12+s2] =	stream.linear.scatter [tilespmem:s2], [sflag:$0x1], $0x960, $0x38;
	[tilespmem:$0x980] =	vst v63  }
0x1d: {  	s13 =	sadd.s32 $0x12C00, s5  }
0x1e: {  	[hbm4b:s13+s2] =	stream.linear.scatter [tilespmem:s2], [sflag:$0x1], $0x960, $0x38;
	[tilespmem:$0x980] =	vst v63  }
0x1f: {  	s14 =	sadd.s32 $0x15180, s5  }
0x20: {  	[hbm4b:s14+s2] =	stream.linear.scatter [tilespmem:s2], [sflag:$0x1], $0x960, $0x38;
	[tilespmem:$0x980] =	vst v63  }
0x21: {  	s15 =	sadd.s32 $0x17700, s5  }
0x22: {  	[hbm4b:s15+s2] =	stream.linear.scatter [tilespmem:s2], [sflag:$0x1], $0x960, $0x38;
	[tilespmem:$0x980] =	vst v63  }
0x23: {  	s16 =	sadd.s32 $0x19C80, s5  }
0x24: {  	[hbm4b:s16+s2] =	stream.linear.scatter [tilespmem:s2], [sflag:$0x1], $0x960, $0x38;
	[tilespmem:$0x980] =	vst v63  }
0x25: {  	s17 =	sadd.s32 $0x1C200, s5  }
0x26: {  	[hbm4b:s17+s2] =	stream.linear.scatter [tilespmem:s2], [sflag:$0x1], $0x960, $0x38;
	[tilespmem:$0x980] =	vst v63  }
0x27: {  	s18 =	sadd.s32 $0x1E780, s5  }
0x28: {  	[hbm4b:s18+s2] =	stream.linear.scatter [tilespmem:s2], [sflag:$0x1], $0x960, $0x38;
	[tilespmem:$0x980] =	vst v63  }
0x29: {  	s19 =	sadd.s32 $0x20D00, s5  }
0x2a: {  	[hbm4b:s19+s2] =	stream.linear.scatter [tilespmem:s2], [sflag:$0x1], $0x960, $0x38;
	[tilespmem:$0x980] =	vst v63  }
0x2b: {  	s20 =	simm.s32 $0x1;
	s21 =	sadd.s32 $0x23280, s5  }
0x2c: {  	[hbm4b:s21+s2] =	stream.linear.scatter [tilespmem:s2], [sflag:$0x1], $0x960, $0x38;
	[tilespmem:$0x980] =	vst v63  }
0x2d: {  	_ =	swait.ge [sflag:s20], $0x960  }
0x2e: {  	[sflag:s20] =	ssyncset.done $0x0  }
0x2f: {  	[sflag:s20] =	ssyncadd.s32 $0xFFFFF6A0  }
0x30: {  	_ =	swait.ge [sflag:s20], $0x960  }
0x31: {  	[sflag:s20] =	ssyncset.done $0x0  }
0x32: {  	[sflag:s20] =	ssyncadd.s32 $0xFFFFF6A0  }
0x33: {  	_ =	swait.ge [sflag:s20], $0x960  }
0x34: {  	[sflag:s20] =	ssyncset.done $0x0  }
0x35: {  	[sflag:s20] =	ssyncadd.s32 $0xFFFFF6A0  }
0x36: {  	_ =	swait.ge [sflag:s20], $0x960  }
0x37: {  	[sflag:s20] =	ssyncset.done $0x0  }
0x38: {  	[sflag:s20] =	ssyncadd.s32 $0xFFFFF6A0  }
0x39: {  	_ =	swait.ge [sflag:s20], $0x960  }
0x3a: {  	[sflag:s20] =	ssyncset.done $0x0  }
0x3b: {  	[sflag:s20] =	ssyncadd.s32 $0xFFFFF6A0  }
0x3c: {  	_ =	swait.ge [sflag:s20], $0x960  }
0x3d: {  	[sflag:s20] =	ssyncset.done $0x0  }
0x3e: {  	[sflag:s20] =	ssyncadd.s32 $0xFFFFF6A0  }
0x3f: {  	_ =	swait.ge [sflag:s20], $0x960  }
0x40: {  	[sflag:s20] =	ssyncset.done $0x0  }
0x41: {  	[sflag:s20] =	ssyncadd.s32 $0xFFFFF6A0  }
0x42: {  	_ =	swait.ge [sflag:s20], $0x960  }
0x43: {  	[sflag:s20] =	ssyncset.done $0x0  }
0x44: {  	[sflag:s20] =	ssyncadd.s32 $0xFFFFF6A0  }
0x45: {  	_ =	swait.ge [sflag:s20], $0x960  }
0x46: {  	[sflag:s20] =	ssyncset.done $0x0  }
0x47: {  	[sflag:s20] =	ssyncadd.s32 $0xFFFFF6A0  }
0x48: {  	_ =	swait.ge [sflag:s20], $0x960  }
0x49: {  	[sflag:s20] =	ssyncset.done $0x0  }
0x4a: {  	[sflag:s20] =	ssyncadd.s32 $0xFFFFF6A0  }
0x4b: {  	_ =	swait.ge [sflag:s20], $0x960  }
0x4c: {  	[sflag:s20] =	ssyncset.done $0x0  }
0x4d: {  	[sflag:s20] =	ssyncadd.s32 $0xFFFFF6A0  }
0x4e: {  	_ =	swait.ge [sflag:s20], $0x960  }
0x4f: {  	[sflag:s20] =	ssyncset.done $0x0  }
0x50: {  	[sflag:s20] =	ssyncadd.s32 $0xFFFFF6A0  }
0x51: {  	_ =	swait.ge [sflag:s20], $0x960  }
0x52: {  	s22 =	ssub.s32 $0x2, s22;
	[sflag:s20] =	ssyncset.done $0x0  }
0x53: {  	s23 =	sshrl.u32 s22, $0x1;
	[sflag:s20] =	ssyncadd.s32 $0xFFFFF6A0  }
0x54: {  	s22 =	ssub.s32 s22, s23;
	_ =	swait.ge [sflag:s20], $0x960  }
0x55: {  	s22 =	smax.u32 s22, $0x1;
	[sflag:s20] =	ssyncset.done $0x0  }
0x56: {  	p0 =	sne.s32 s22, $0x1;
	[sflag:s20] =	ssyncadd.s32 $0xFFFFF6A0  }
.Ltmp0:
0x57: {  	_ =	swait.ge [sflag:s20], $0x960;
	(pc) =	sbr.rel @!p0 .LBB2_2-.Ltmp0, $4  }
0x58: {  	[sflag:s20] =	ssyncset.done $0x0  }
0x59: {  	[sflag:s20] =	ssyncadd.s32 $0xFFFFF6A0  }
0x5a: {  	_ =	swait.ge [sflag:s20], $0x960  }
0x5b: {  	s22 =	sadd.s32 $0xFFFFFFFF, s22;
	[sflag:s20] =	ssyncset.done $0x0  }
.LBB2_1:
0x5c: {  	p0 =	sne.s32 s22, $0x1;
	s22 =	sadd.s32 $0xFFFFFFFF, s22;
	[sflag:s20] =	ssyncadd.s32 $0xFFFFF6A0  }
0x5d: {  	[tilespmem:s2], [sflag:$0x2] =	stream.linear.gather [hbm4b:s3+s2], $0x960, $0x38;
	[tilespmem:$0x980] =	vst v63  }
0x5e: {  	_ =	swait.ge [sflag:s4], $0x960  }
0x5f: {  	[sflag:s4] =	ssyncset.done $0x0  }
0x60: {  	[sflag:s4] =	ssyncadd.s32 $0xFFFFF6A0  }
0x61: {  	[hbm4b:s5+s2] =	stream.linear.scatter [tilespmem:s2], [sflag:$0x1], $0x960, $0x38;
	[tilespmem:$0x980] =	vst v63  }
0x62: {  	_ = 	snop  }
0x63: {  	[hbm4b:s6+s2] =	stream.linear.scatter [tilespmem:s2], [sflag:$0x1], $0x960, $0x38;
	[tilespmem:$0x980] =	vst v63  }
0x64: {  	_ = 	snop  }
0x65: {  	[hbm4b:s7+s2] =	stream.linear.scatter [tilespmem:s2], [sflag:$0x1], $0x960, $0x38;
	[tilespmem:$0x980] =	vst v63  }
0x66: {  	_ = 	snop  }
0x67: {  	[hbm4b:s8+s2] =	stream.linear.scatter [tilespmem:s2], [sflag:$0x1], $0x960, $0x38;
	[tilespmem:$0x980] =	vst v63  }
0x68: {  	_ = 	snop  }
0x69: {  	[hbm4b:s9+s2] =	stream.linear.scatter [tilespmem:s2], [sflag:$0x1], $0x960, $0x38;
	[tilespmem:$0x980] =	vst v63  }
0x6a: {  	_ = 	snop  }
0x6b: {  	[hbm4b:s10+s2] =	stream.linear.scatter [tilespmem:s2], [sflag:$0x1], $0x960, $0x38;
	[tilespmem:$0x980] =	vst v63  }
0x6c: {  	_ = 	snop  }
0x6d: {  	[hbm4b:s11+s2] =	stream.linear.scatter [tilespmem:s2], [sflag:$0x1], $0x960, $0x38;
	[tilespmem:$0x980] =	vst v63  }
0x6e: {  	_ = 	snop  }
0x6f: {  	[hbm4b:s12+s2] =	stream.linear.scatter [tilespmem:s2], [sflag:$0x1], $0x960, $0x38;
	[tilespmem:$0x980] =	vst v63  }
0x70: {  	_ = 	snop  }
0x71: {  	[hbm4b:s13+s2] =	stream.linear.scatter [tilespmem:s2], [sflag:$0x1], $0x960, $0x38;
	[tilespmem:$0x980] =	vst v63  }
0x72: {  	_ = 	snop  }
0x73: {  	[hbm4b:s14+s2] =	stream.linear.scatter [tilespmem:s2], [sflag:$0x1], $0x960, $0x38;
	[tilespmem:$0x980] =	vst v63  }
0x74: {  	_ = 	snop  }
0x75: {  	[hbm4b:s15+s2] =	stream.linear.scatter [tilespmem:s2], [sflag:$0x1], $0x960, $0x38;
	[tilespmem:$0x980] =	vst v63  }
0x76: {  	_ = 	snop  }
0x77: {  	[hbm4b:s16+s2] =	stream.linear.scatter [tilespmem:s2], [sflag:$0x1], $0x960, $0x38;
	[tilespmem:$0x980] =	vst v63  }
0x78: {  	_ = 	snop  }
0x79: {  	[hbm4b:s17+s2] =	stream.linear.scatter [tilespmem:s2], [sflag:$0x1], $0x960, $0x38;
	[tilespmem:$0x980] =	vst v63  }
0x7a: {  	_ = 	snop  }
0x7b: {  	[hbm4b:s18+s2] =	stream.linear.scatter [tilespmem:s2], [sflag:$0x1], $0x960, $0x38;
	[tilespmem:$0x980] =	vst v63  }
0x7c: {  	_ = 	snop  }
0x7d: {  	[hbm4b:s19+s2] =	stream.linear.scatter [tilespmem:s2], [sflag:$0x1], $0x960, $0x38;
	[tilespmem:$0x980] =	vst v63  }
0x7e: {  	_ = 	snop  }
0x7f: {  	[hbm4b:s21+s2] =	stream.linear.scatter [tilespmem:s2], [sflag:$0x1], $0x960, $0x38;
	[tilespmem:$0x980] =	vst v63  }
0x80: {  	_ =	swait.ge [sflag:s20], $0x960  }
0x81: {  	[sflag:s20] =	ssyncset.done $0x0  }
0x82: {  	[sflag:s20] =	ssyncadd.s32 $0xFFFFF6A0  }
0x83: {  	_ =	swait.ge [sflag:s20], $0x960  }
0x84: {  	[sflag:s20] =	ssyncset.done $0x0  }
0x85: {  	[sflag:s20] =	ssyncadd.s32 $0xFFFFF6A0  }
0x86: {  	_ =	swait.ge [sflag:s20], $0x960  }
0x87: {  	[sflag:s20] =	ssyncset.done $0x0  }
0x88: {  	[sflag:s20] =	ssyncadd.s32 $0xFFFFF6A0  }
0x89: {  	_ =	swait.ge [sflag:s20], $0x960  }
0x8a: {  	[sflag:s20] =	ssyncset.done $0x0  }
0x8b: {  	[sflag:s20] =	ssyncadd.s32 $0xFFFFF6A0  }
0x8c: {  	_ =	swait.ge [sflag:s20], $0x960  }
0x8d: {  	[sflag:s20] =	ssyncset.done $0x0  }
0x8e: {  	[sflag:s20] =	ssyncadd.s32 $0xFFFFF6A0  }
0x8f: {  	_ =	swait.ge [sflag:s20], $0x960  }
0x90: {  	[sflag:s20] =	ssyncset.done $0x0  }
0x91: {  	[sflag:s20] =	ssyncadd.s32 $0xFFFFF6A0  }
0x92: {  	_ =	swait.ge [sflag:s20], $0x960  }
0x93: {  	[sflag:s20] =	ssyncset.done $0x0  }
0x94: {  	[sflag:s20] =	ssyncadd.s32 $0xFFFFF6A0  }
0x95: {  	_ =	swait.ge [sflag:s20], $0x960  }
0x96: {  	[sflag:s20] =	ssyncset.done $0x0  }
0x97: {  	[sflag:s20] =	ssyncadd.s32 $0xFFFFF6A0  }
0x98: {  	_ =	swait.ge [sflag:s20], $0x960  }
0x99: {  	[sflag:s20] =	ssyncset.done $0x0  }
0x9a: {  	[sflag:s20] =	ssyncadd.s32 $0xFFFFF6A0  }
0x9b: {  	_ =	swait.ge [sflag:s20], $0x960  }
0x9c: {  	[sflag:s20] =	ssyncset.done $0x0  }
0x9d: {  	[sflag:s20] =	ssyncadd.s32 $0xFFFFF6A0  }
0x9e: {  	_ =	swait.ge [sflag:s20], $0x960  }
0x9f: {  	[sflag:s20] =	ssyncset.done $0x0  }
0xa0: {  	[sflag:s20] =	ssyncadd.s32 $0xFFFFF6A0  }
0xa1: {  	_ =	swait.ge [sflag:s20], $0x960  }
0xa2: {  	[sflag:s20] =	ssyncset.done $0x0  }
0xa3: {  	[sflag:s20] =	ssyncadd.s32 $0xFFFFF6A0  }
0xa4: {  	_ =	swait.ge [sflag:s20], $0x960  }
0xa5: {  	[sflag:s20] =	ssyncset.done $0x0  }
0xa6: {  	[sflag:s20] =	ssyncadd.s32 $0xFFFFF6A0  }
0xa7: {  	_ =	swait.ge [sflag:s20], $0x960  }
0xa8: {  	[sflag:s20] =	ssyncset.done $0x0  }
0xa9: {  	[sflag:s20] =	ssyncadd.s32 $0xFFFFF6A0  }
.Ltmp1:
0xaa: {  	_ =	swait.ge [sflag:s20], $0x960;
	(pc) =	sbr.rel @p0 .LBB2_1-.Ltmp1, $4  }
0xab: {  	[sflag:s20] =	ssyncset.done $0x0  }
0xac: {  	[sflag:s20] =	ssyncadd.s32 $0xFFFFF6A0  }
0xad: {  	_ =	swait.ge [sflag:s20], $0x960  }
0xae: {  	[sflag:s20] =	ssyncset.done $0x0  }
.LBB2_2:
0xaf: {  	[sflag:s20] =	ssyncadd.s32 $0xFFFFF6A0  }
0xb0: {  	_ =	sfence.sel $0x180000  }
0xb1: {  	[bflag:$0x0] =	sbarrier.arrive $0xFFFF  }
0xb2: {  	p0 =	sne.s32 s0, $0x0;
	_ =	strace $0x90000047  }
0xb3: {  	s0 =	sadd.s32 @!p0 $0x100000, s1;
	[bflag:$0x2] =	sbarrier.arrive $0xFFFF  }
0xb4: {  	[sflag:s0] =	ssyncadd.tile.s32 @!p0 $0x1;
	_ =	shalt  }
.Lfunc_end2:
_tile_overlayer_lowered:
.L_overlay_start_2:
0xb5: {  	(tag) =	ssettag $0x2  }
0xb6: {  	s0 =	rddreg [dreg:$0x0];
	s2 =	stileid.u32  }
0xb7: {  	s1 =	rddreg [dreg:$0x1];
	p0 =	sne.s32 s2, $0x0  }
0xb8: {  	s3 =	rddreg [dreg:$0x2];
	[bflag:$0x3] =	sbarrier.arrive $0xFFFF;
	s2 =	simm.s32 @!p0 $0x1C02  }
0xb9: {  	[timem:s3], [sflag:s2] =	dma.local @!p0 [hbm:s0], s1  }
0xba: {  	s0 =	simm.s32 @!p0 $0x2  }
0xbb: {  	_ =	swait.ge @!p0 [sflag:s0], s1  }
0xbc: {  	s1 =	ssub.s32 @!p0 $0x0, s1;
	[sflag:s0] =	ssyncset.done @!p0 $0x0  }
0xbd: {  	[sflag:s0] =	ssyncadd.s32 @!p0 s1  }
0xbe: {  	[bflag:$0x3] =	sbarrier.arrive $0xFFFF  }
0xbf: {  	_ =	shalt  }

</sc_bundles>
